<compile_context>
chip_gen: v7x
topology: tpu7x:2x2x1
jax: 0.10.2.dev20260603
libtpu: 0.0.44.dev20260713+nightly
codegen_flags: <defaults>
</compile_context>

<pallas_src>
import functools

import jax
import jax.numpy as jnp
from jax import lax
from jax.experimental import pallas as pl
from jax.experimental.pallas import tpu as pltpu
from jax.experimental.pallas import tpu_sc as plsc

_ALPHA = 0.5
_NS_TILE = 256
_K_CHUNK = 512
_IDX_BITS = 13
_IDX_MASK = (1 << _IDX_BITS) - 1
_K_BLK = 512


def _argmin_body(pc_ref, pcT_ref, seed_ref, seedT_ref, ptsT_ref, idx_ref):
    b = pl.program_id(0)
    k_total = ptsT_ref.shape[2]

    pc_nat = pc_ref[0]
    mu_row = jnp.mean(pc_nat, axis=0, keepdims=True)
    dd = pc_nat - mu_row
    nrm2 = jnp.sum(dd * dd, axis=1, keepdims=True)
    scale = jnp.sqrt(jnp.max(nrm2, axis=(0, 1), keepdims=True)) + 1e-6
    mu_col = jnp.mean(pcT_ref[0], axis=1, keepdims=True)

    s_nat = (seed_ref[0] - mu_row) / scale
    s2 = jnp.sum(s_nat * s_nat, axis=1, keepdims=True)
    sT_bf = ((seedT_ref[0] - mu_col) / scale).astype(jnp.bfloat16)

    def body(c, best):
        k0 = c * _K_CHUNK
        pT = (ptsT_ref[0, :, pl.ds(k0, _K_CHUNK)] - mu_col) / scale
        p2 = jnp.sum(pT * pT, axis=0, keepdims=True)
        m = lax.dot_general(sT_bf, pT.astype(jnp.bfloat16),
                            (((0,), (0,)), ((), ())),
                            preferred_element_type=jnp.float32)
        sc = (s2 - 2.0 * m) + p2
        bits = lax.bitcast_convert_type(sc, jnp.int32)
        mono = bits ^ (lax.shift_right_arithmetic(bits, 31)
                       & jnp.int32(0x7FFFFFFF))
        kidx = lax.broadcasted_iota(jnp.int32, (1, _K_CHUNK), 1) + k0
        packed = (mono & jnp.int32(~_IDX_MASK)) | kidx
        cbest = jnp.min(packed, axis=1, keepdims=True)
        return jnp.minimum(best, cbest)

    init = jnp.full((_NS_TILE, 1), jnp.int32(0x7FFFFFFF), jnp.int32)
    best = lax.fori_loop(0, k_total // _K_CHUNK, body, init)
    idx_ref[0, 0] = (best & jnp.int32(_IDX_MASK)) + b * k_total


def _proj_body(feat_ref, wT_ref, b_ref, out_ref):
    fb = feat_ref[0].astype(jnp.bfloat16)
    w = wT_ref[...].astype(jnp.bfloat16)
    x = lax.dot_general(fb, w, (((0,), (0,)), ((), ())),
                        preferred_element_type=jnp.float32)
    out_ref[0] = x + b_ref[...]


def _make_sc_gather(n_rows, d, n_idx):
    info = plsc.get_sparse_core_info()
    nw = info.num_cores * info.num_subcores
    b_per_w = n_idx // nw
    mesh = plsc.VectorSubcoreMesh(core_axis_name="c", subcore_axis_name="s")

    @functools.partial(
        pl.kernel, mesh=mesh,
        out_type=jax.ShapeDtypeStruct((n_idx, d), jnp.float32),
        scratch_types=[
            pltpu.VMEM((b_per_w,), jnp.int32),
            pltpu.VMEM((b_per_w, d), jnp.float32),
            pltpu.SemaphoreType.DMA,
        ],
    )
    def k(table_hbm, idx_hbm, out_hbm, idx_v, rows_v, sem):
        wid = lax.axis_index("s") * info.num_cores + lax.axis_index("c")
        base = wid * b_per_w
        pltpu.sync_copy(idx_hbm.at[pl.ds(base, b_per_w)], idx_v)
        pltpu.async_copy(table_hbm.at[idx_v], rows_v, sem).wait()
        pltpu.sync_copy(rows_v, out_hbm.at[pl.ds(base, b_per_w)])

    return k


def _adapter_body(g_ref, fg_ref, wa1T_ref, ba1_ref, wa2_ref, ba2_ref, out_ref):
    x = g_ref[0]
    mu = jnp.mean(x, axis=1, keepdims=True)
    xc = x - mu
    var = jnp.mean(xc * xc, axis=1, keepdims=True)
    xln = xc * lax.rsqrt(var + 1e-5)
    h = jnp.maximum(
        jnp.dot(xln, wa1T_ref[...], preferred_element_type=jnp.float32)
        + ba1_ref[...], 0.0)
    fT = lax.dot_general(wa2_ref[...], h, (((1,), (1,)), ((), ())),
                         preferred_element_type=jnp.float32)
    out_ref[0] = (1.0 - _ALPHA) * fg_ref[0] + _ALPHA * (fT + ba2_ref[...])


def kernel(point_cloud, seed_xyz, f_graspnet, pts, feat, W_proj, b_proj,
           W_a1, b_a1, W_a2, b_a2):
    B, Ns, _ = seed_xyz.shape
    N = point_cloud.shape[1]
    K = pts.shape[1]
    d_out, d_in = W_proj.shape
    nt = Ns // _NS_TILE
    ptsT = jnp.swapaxes(pts, 1, 2)
    pcT = jnp.swapaxes(point_cloud, 1, 2)
    seedT = jnp.swapaxes(seed_xyz, 1, 2)

    idx = pl.pallas_call(
        _argmin_body,
        grid=(B, nt),
        in_specs=[pl.BlockSpec((1, N, 3), lambda b, t: (b, 0, 0)),
                  pl.BlockSpec((1, 3, N), lambda b, t: (b, 0, 0)),
                  pl.BlockSpec((1, _NS_TILE, 3), lambda b, t: (b, t, 0)),
                  pl.BlockSpec((1, 3, _NS_TILE), lambda b, t: (b, 0, t)),
                  pl.BlockSpec((1, 3, K), lambda b, t: (b, 0, 0))],
        out_specs=pl.BlockSpec((1, 1, _NS_TILE, 1), lambda b, t: (b, t, 0, 0)),
        out_shape=jax.ShapeDtypeStruct((B, nt, _NS_TILE, 1), jnp.int32),
    )(point_cloud, pcT, seed_xyz, seedT, ptsT)
    idx_flat = idx.reshape(B * Ns)

    xT = pl.pallas_call(
        _proj_body,
        grid=(B, K // _K_BLK),
        in_specs=[pl.BlockSpec((1, d_in, _K_BLK), lambda b, k: (b, 0, k)),
                  pl.BlockSpec((d_in, d_out), lambda b, k: (0, 0)),
                  pl.BlockSpec((1, d_out), lambda b, k: (0, 0))],
        out_specs=pl.BlockSpec((1, _K_BLK, d_out), lambda b, k: (b, k, 0)),
        out_shape=jax.ShapeDtypeStruct((B, K, d_out), jnp.float32),
    )(feat, jnp.swapaxes(W_proj, 0, 1), b_proj.reshape(1, d_out))

    g = _make_sc_gather(B * K, d_out, B * Ns)(xT.reshape(B * K, d_out), idx_flat)

    out = pl.pallas_call(
        _adapter_body,
        grid=(B,),
        in_specs=[pl.BlockSpec((1, Ns, d_out), lambda b: (b, 0, 0)),
                  pl.BlockSpec((1, d_out, Ns), lambda b: (b, 0, 0)),
                  pl.BlockSpec((d_out, d_out), lambda b: (0, 0)),
                  pl.BlockSpec((1, d_out), lambda b: (0, 0)),
                  pl.BlockSpec((d_out, d_out), lambda b: (0, 0)),
                  pl.BlockSpec((d_out, 1), lambda b: (0, 0))],
        out_specs=pl.BlockSpec((1, d_out, Ns), lambda b: (b, 0, 0)),
        out_shape=jax.ShapeDtypeStruct((B, d_out, Ns), jnp.float32),
    )(g.reshape(B, Ns, d_out), f_graspnet, jnp.swapaxes(W_a1, 0, 1),
      b_a1.reshape(1, d_out), W_a2, b_a2.reshape(d_out, 1))
    return out

# --- scband reference (transcript-rebuilt; emitter-appended) ---
"""Pipeline reference for scband-vggprogressive-replacement-grasp-net-16733192585531 (READ-ONLY COPY).

The authoritative reference and input builder live on the scoring server;
editing this copy changes nothing except your own understanding.
"""

import jax, jax.numpy as jnp
import numpy as np

ALPHA = 0.5
D_VGGT = 768
D_SEED = 256

def _normalize_xyz_with_pc(pc, xyz):
    c = pc.mean(axis=1, keepdims=True)                      # [B,1,3]
    scale = jnp.max(jnp.linalg.norm(pc - c, axis=-1), axis=1)  # [B]
    scale = scale[:, None, None] + 1e-6
    return (xyz - c) / scale

def setup_inputs(seed: int = 0) -> dict:
    key = jax.random.key(seed)
    ks = jax.random.split(key, 12)
    B, N, Ns, K = 4, 20000, 1024, 8192
    inp = {}
    inp['point_cloud'] = jax.random.normal(ks[0], (B, N, 3), dtype=jnp.float32)
    inp['seed_xyz'] = jax.random.normal(ks[1], (B, Ns, 3), dtype=jnp.float32)
    inp['f_graspnet'] = jax.random.normal(ks[2], (B, D_SEED, Ns), dtype=jnp.float32)
    inp['pts'] = jax.random.normal(ks[3], (B, K, 3), dtype=jnp.float32)
    inp['feat'] = jax.random.normal(ks[4], (B, D_VGGT, K), dtype=jnp.float32)
    inp['W_proj'] = jax.random.normal(ks[5], (D_SEED, D_VGGT), dtype=jnp.float32) * 0.02
    inp['b_proj'] = jnp.zeros((D_SEED,), dtype=jnp.float32)
    inp['W_a1'] = jax.random.normal(ks[6], (D_SEED, D_SEED), dtype=jnp.float32) * 0.02
    inp['b_a1'] = jnp.zeros((D_SEED,), dtype=jnp.float32)
    inp['W_a2'] = jax.random.normal(ks[7], (D_SEED, D_SEED), dtype=jnp.float32) * 0.02
    inp['b_a2'] = jnp.zeros((D_SEED,), dtype=jnp.float32)
    return inp

def reference(point_cloud, seed_xyz, f_graspnet, pts, feat, W_proj, b_proj, W_a1, b_a1, W_a2, b_a2):
    B, Ns, _ = seed_xyz.shape
    # normalize both point sets by the raw cloud statistics
    seed_n = _normalize_xyz_with_pc(point_cloud, seed_xyz)   # [B,Ns,3]
    pts_n = _normalize_xyz_with_pc(point_cloud, pts)         # [B,K,3]
    # 1-NN retrieval: squared distances [B,Ns,K]
    d2 = (jnp.sum(seed_n ** 2, axis=-1, keepdims=True)
          - 2.0 * jnp.einsum('bnd,bkd->bnk', seed_n, pts_n)
          + jnp.sum(pts_n ** 2, axis=-1)[:, None, :])
    idx = jnp.argmin(d2, axis=-1)                            # [B,Ns] int
    # gather 768-d features at nearest token
    idx_b = jnp.broadcast_to(idx[:, None, :], (B, D_VGGT, Ns))
    vggt_raw = jnp.take_along_axis(feat, idx_b, axis=2)      # [B,768,Ns]
    # replacement projector (1x1 conv)
    x = jnp.einsum('oc,bcn->bon', W_proj, vggt_raw) + b_proj[None, :, None]
    # LayerNorm over channel dim, no affine
    xp = jnp.transpose(x, (0, 2, 1))                         # [B,Ns,256]
    mu = xp.mean(axis=-1, keepdims=True)
    var = xp.var(axis=-1, keepdims=True)
    x_ln = jnp.transpose((xp - mu) / jnp.sqrt(var + 1e-5), (0, 2, 1))
    # progressive adapter: conv1d -> relu -> conv1d
    h = jax.nn.relu(jnp.einsum('oc,bcn->bon', W_a1, x_ln) + b_a1[None, :, None])
    f_vggt_adapted = jnp.einsum('oc,bcn->bon', W_a2, h) + b_a2[None, :, None]
    seed_features = (1.0 - ALPHA) * f_graspnet + ALPHA * f_vggt_adapted
    return seed_features

if __name__ == "__main__":
    import jax
    _d = setup_inputs()
    print(jax.jit(kernel)(*tuple(_d.values())))

</pallas_src>

<mosaic_0001>
#map = affine_map<(d0, d1) -> (0, 0)>
#map1 = affine_map<(d0, d1) -> (0)>
module attributes {stable_mosaic.version = 14 : i64} {
  func.func @k(%arg0: i32, %arg1: i32, %arg2: memref<32768x256xf32, #tpu.memory_space<hbm>>, %arg3: memref<4096xi32, #tpu.memory_space<hbm>>, %arg4: memref<4096x256xf32, #tpu.memory_space<hbm>>, %arg5: memref<128xi32, #tpu.memory_space<vmem>>, %arg6: memref<128x256xf32, #tpu.memory_space<vmem>>, %arg7: memref<!tpu.dma_semaphore, #tpu.memory_space<semaphore_mem>>) attributes {dimension_semantics = [#tpu.dimension_semantics<core_parallel>, #tpu.dimension_semantics<subcore_parallel>], iteration_bounds = array<i64: 2, 16>, scalar_prefetch = 0 : i64, scratch_operands = 3 : i64, tpu.core_type = #tpu.core_type<sc_vector_subcore>, window_params = [{transform_indices = #map}, {transform_indices = #map1}, {transform_indices = #map}]} {
    %mul3A = arith.constant 2 : i32
    %mul3A_0 = arith.muli %arg1, %mul3A : i32
    %add3A = arith.addi %mul3A_0, %arg0 : i32
    %mul3A_1 = arith.constant 128 : i32
    %mul3A_2 = arith.muli %add3A, %mul3A_1 : i32
    "tpu.region"() ({
      %run_scoped3A = tpu.sem_alloc : memref<!tpu.dma_semaphore, #tpu.memory_space<semaphore_mem>>
      %dma_start3A_7 = tpu.memref_slice %arg3[%mul3A_2] : memref<4096xi32, #tpu.memory_space<hbm>> -> memref<128xi32, #tpu.memory_space<hbm>>
      %dma_start3A_8 = tpu.memref_slice %arg3[%mul3A_2] : memref<4096xi32, #tpu.memory_space<hbm>> -> memref<128xi32, #tpu.memory_space<hbm>>
      tpu.enqueue_dma source(%dma_start3A_8 : memref<128xi32, #tpu.memory_space<hbm>>) target(%arg5 : memref<128xi32, #tpu.memory_space<vmem>>) target_semaphore(%run_scoped3A : memref<!tpu.dma_semaphore, #tpu.memory_space<semaphore_mem>>)
      %dma_wait3A_9 = tpu.memref_slice %arg3[%mul3A_2] : memref<4096xi32, #tpu.memory_space<hbm>> -> memref<128xi32, #tpu.memory_space<hbm>>
      %dma_wait3A_10 = tpu.memref_slice %arg3[%mul3A_2] : memref<4096xi32, #tpu.memory_space<hbm>> -> memref<128xi32, #tpu.memory_space<hbm>>
      tpu.wait_dma2 semaphore(%run_scoped3A : memref<!tpu.dma_semaphore, #tpu.memory_space<semaphore_mem>>) src(%dma_wait3A_10 : memref<128xi32, #tpu.memory_space<hbm>>) dst(%arg5 : memref<128xi32, #tpu.memory_space<vmem>>)
      tpu.yield
    }) : () -> ()
    %dma_start3A = arith.constant 0 : i32
    %dma_start3A_3 = arith.constant 0 : i32
    %dma_start3A_4 = tpu.memref_slice %arg2[%dma_start3A, %dma_start3A_3] : memref<32768x256xf32, #tpu.memory_space<hbm>> -> memref<32768x256xf32, #tpu.memory_space<hbm>>
    tpu.enqueue_indirect_dma source(%dma_start3A_4 : memref<32768x256xf32, #tpu.memory_space<hbm>>) target(%arg6 : memref<128x256xf32, #tpu.memory_space<vmem>>) offsets(%arg5 : memref<128xi32, #tpu.memory_space<vmem>>) semaphore(%arg7 : memref<!tpu.dma_semaphore, #tpu.memory_space<semaphore_mem>>)
    %dma_wait3A = arith.constant 0 : i32
    %dma_wait3A_5 = arith.constant 0 : i32
    %dma_wait3A_6 = tpu.memref_slice %arg2[%dma_wait3A, %dma_wait3A_5] : memref<32768x256xf32, #tpu.memory_space<hbm>> -> memref<32768x256xf32, #tpu.memory_space<hbm>>
    tpu.wait_indirect_dma semaphore(%arg7 : memref<!tpu.dma_semaphore, #tpu.memory_space<semaphore_mem>>) src(%dma_wait3A_6 : memref<32768x256xf32, #tpu.memory_space<hbm>>) dst(%arg6 : memref<128x256xf32, #tpu.memory_space<vmem>>)
    "tpu.region"() ({
      %run_scoped3A = tpu.sem_alloc : memref<!tpu.dma_semaphore, #tpu.memory_space<semaphore_mem>>
      %dma_start3A_7 = arith.constant 0 : i32
      %dma_start3A_8 = tpu.memref_slice %arg4[%mul3A_2, %dma_start3A_7] : memref<4096x256xf32, #tpu.memory_space<hbm>> -> memref<128x256xf32, #tpu.memory_space<hbm>>
      %dma_start3A_9 = arith.constant 0 : i32
      %dma_start3A_10 = tpu.memref_slice %arg4[%mul3A_2, %dma_start3A_9] : memref<4096x256xf32, #tpu.memory_space<hbm>> -> memref<128x256xf32, #tpu.memory_space<hbm>>
      tpu.enqueue_dma source(%arg6 : memref<128x256xf32, #tpu.memory_space<vmem>>) target(%dma_start3A_10 : memref<128x256xf32, #tpu.memory_space<hbm>>) target_semaphore(%run_scoped3A : memref<!tpu.dma_semaphore, #tpu.memory_space<semaphore_mem>>)
      %dma_wait3A_11 = arith.constant 0 : i32
      %dma_wait3A_12 = tpu.memref_slice %arg4[%mul3A_2, %dma_wait3A_11] : memref<4096x256xf32, #tpu.memory_space<hbm>> -> memref<128x256xf32, #tpu.memory_space<hbm>>
      %dma_wait3A_13 = arith.constant 0 : i32
      %dma_wait3A_14 = tpu.memref_slice %arg4[%mul3A_2, %dma_wait3A_13] : memref<4096x256xf32, #tpu.memory_space<hbm>> -> memref<128x256xf32, #tpu.memory_space<hbm>>
      tpu.wait_dma2 semaphore(%run_scoped3A : memref<!tpu.dma_semaphore, #tpu.memory_space<semaphore_mem>>) src(%arg6 : memref<128x256xf32, #tpu.memory_space<vmem>>) dst(%dma_wait3A_14 : memref<128x256xf32, #tpu.memory_space<hbm>>)
      tpu.yield
    }) : () -> ()
    return
  }
}

module attributes {stable_mosaic.version = 14 : i64} {
  func.func @_argmin_body(%arg0: i32, %arg1: i32, %arg2: memref<1x20000x3xf32, #tpu.memory_space<vmem>>, %arg3: memref<1x3x20000xf32, #tpu.memory_space<vmem>>, %arg4: memref<1x256x3xf32, #tpu.memory_space<vmem>>, %arg5: memref<1x3x256xf32, #tpu.memory_space<vmem>>, %arg6: memref<1x3x8192xf32, #tpu.memory_space<vmem>>, %arg7: memref<1x1x256x1xi32, #tpu.memory_space<vmem>>) attributes {dimension_semantics = [#tpu.dimension_semantics<arbitrary>, #tpu.dimension_semantics<arbitrary>], iteration_bounds = array<i64: 4, 4>, scalar_prefetch = 0 : i64, scratch_operands = 0 : i64, tpu.core_type = #tpu.core_type<tc>, window_params = [{transform_indices = @transform_0, window_bounds = array<i64: 1, 20000, 3>}, {transform_indices = @transform_1, window_bounds = array<i64: 1, 3, 20000>}, {transform_indices = @transform_2, window_bounds = array<i64: 1, 256, 3>}, {transform_indices = @transform_3, window_bounds = array<i64: 1, 3, 256>}, {transform_indices = @transform_4, window_bounds = array<i64: 1, 3, 8192>}, {transform_indices = @transform_5, window_bounds = array<i64: 1, 1, 256, 1>}]} {
    %get3A = arith.constant 0 : index
    %get3A_0 = arith.constant 0 : index
    %get3A_1 = arith.constant 0 : index
    %get3A_2 = vector.load %arg2[%get3A, %get3A_0, %get3A_1] : memref<1x20000x3xf32, #tpu.memory_space<vmem>>, vector<1x20000x3xf32>
    %get3A_3 = vector.shape_cast %get3A_2 : vector<1x20000x3xf32> to vector<20000x3xf32>
    %reduce_sum3A = arith.constant dense<0.000000e+00> : vector<3xf32>
    %reduce_sum3A_4 = vector.multi_reduction <add>, %get3A_3, %reduce_sum3A [0] : vector<20000x3xf32> to vector<3xf32>
    %broadcast_in_dim3A = vector.shape_cast %reduce_sum3A_4 : vector<3xf32> to vector<1x3xf32>
    %div3A = arith.constant 2.000000e+04 : f32
    %div3A_5 = vector.broadcast %div3A : f32 to vector<1x3xf32>
    %div3A_6 = arith.divf %broadcast_in_dim3A, %div3A_5 : vector<1x3xf32>
    %sub3A = vector.broadcast %div3A_6 : vector<1x3xf32> to vector<20000x3xf32>
    %sub3A_7 = arith.subf %get3A_3, %sub3A : vector<20000x3xf32>
    %mul3A = arith.mulf %sub3A_7, %sub3A_7 : vector<20000x3xf32>
    %reduce_sum3A_8 = arith.constant dense<0.000000e+00> : vector<20000xf32>
    %reduce_sum3A_9 = vector.multi_reduction <add>, %mul3A, %reduce_sum3A_8 [1] : vector<20000x3xf32> to vector<20000xf32>
    %broadcast_in_dim3A_10 = vector.shape_cast %reduce_sum3A_9 : vector<20000xf32> to vector<20000x1xf32>
    %reduce_max3A = vector.shape_cast %broadcast_in_dim3A_10 : vector<20000x1xf32> to vector<1x20000x1xf32>
    %reduce_max3A_11 = arith.constant dense<0xFF800000> : vector<1xf32>
    %reduce_max3A_12 = vector.multi_reduction <maximumf>, %reduce_max3A, %reduce_max3A_11 [1, 2] : vector<1x20000x1xf32> to vector<1xf32>
    %reduce_max3A_13 = vector.shape_cast %reduce_max3A_12 : vector<1xf32> to vector<1x1x1xf32>
    %reduce_max3A_14 = vector.extract %reduce_max3A_13[0, 0, 0] : f32 from vector<1x1x1xf32>
    %broadcast_in_dim3A_15 = vector.broadcast %reduce_max3A_14 : f32 to vector<1x1xf32>
    %sqrt3A = math.sqrt %broadcast_in_dim3A_15 : vector<1x1xf32>
    %add3A = arith.constant 9.99999997E-7 : f32
    %add3A_16 = vector.broadcast %add3A : f32 to vector<1x1xf32>
    %add3A_17 = arith.addf %sqrt3A, %add3A_16 : vector<1x1xf32>
    %get3A_18 = arith.constant 0 : index
    %get3A_19 = arith.constant 0 : index
    %get3A_20 = arith.constant 0 : index
    %get3A_21 = vector.load %arg3[%get3A_18, %get3A_19, %get3A_20] : memref<1x3x20000xf32, #tpu.memory_space<vmem>>, vector<1x3x20000xf32>
    %get3A_22 = vector.shape_cast %get3A_21 : vector<1x3x20000xf32> to vector<3x20000xf32>
    %reduce_sum3A_23 = arith.constant dense<0.000000e+00> : vector<3xf32>
    %reduce_sum3A_24 = vector.multi_reduction <add>, %get3A_22, %reduce_sum3A_23 [1] : vector<3x20000xf32> to vector<3xf32>
    %broadcast_in_dim3A_25 = vector.shape_cast %reduce_sum3A_24 : vector<3xf32> to vector<3x1xf32>
    %div3A_26 = arith.constant 2.000000e+04 : f32
    %div3A_27 = vector.broadcast %div3A_26 : f32 to vector<3x1xf32>
    %div3A_28 = arith.divf %broadcast_in_dim3A_25, %div3A_27 : vector<3x1xf32>
    %get3A_29 = arith.constant 0 : index
    %get3A_30 = arith.constant 0 : index
    %get3A_31 = arith.constant 0 : index
    %get3A_32 = vector.load %arg4[%get3A_29, %get3A_30, %get3A_31] : memref<1x256x3xf32, #tpu.memory_space<vmem>>, vector<1x256x3xf32>
    %get3A_33 = vector.shape_cast %get3A_32 : vector<1x256x3xf32> to vector<256x3xf32>
    %sub3A_34 = vector.broadcast %div3A_6 : vector<1x3xf32> to vector<256x3xf32>
    %sub3A_35 = arith.subf %get3A_33, %sub3A_34 : vector<256x3xf32>
    %div3A_36 = vector.broadcast %add3A_17 : vector<1x1xf32> to vector<256x3xf32>
    %div3A_37 = arith.divf %sub3A_35, %div3A_36 : vector<256x3xf32>
    %mul3A_38 = arith.mulf %div3A_37, %div3A_37 : vector<256x3xf32>
    %reduce_sum3A_39 = arith.constant dense<0.000000e+00> : vector<256xf32>
    %reduce_sum3A_40 = vector.multi_reduction <add>, %mul3A_38, %reduce_sum3A_39 [1] : vector<256x3xf32> to vector<256xf32>
    %broadcast_in_dim3A_41 = vector.shape_cast %reduce_sum3A_40 : vector<256xf32> to vector<256x1xf32>
    %get3A_42 = arith.constant 0 : index
    %get3A_43 = arith.constant 0 : index
    %get3A_44 = arith.constant 0 : index
    %get3A_45 = vector.load %arg5[%get3A_42, %get3A_43, %get3A_44] : memref<1x3x256xf32, #tpu.memory_space<vmem>>, vector<1x3x256xf32>
    %get3A_46 = vector.shape_cast %get3A_45 : vector<1x3x256xf32> to vector<3x256xf32>
    %sub3A_47 = vector.broadcast %div3A_28 : vector<3x1xf32> to vector<3x256xf32>
    %sub3A_48 = arith.subf %get3A_46, %sub3A_47 : vector<3x256xf32>
    %div3A_49 = vector.broadcast %add3A_17 : vector<1x1xf32> to vector<3x256xf32>
    %div3A_50 = arith.divf %sub3A_48, %div3A_49 : vector<3x256xf32>
    %convert_element_type3A = arith.truncf %div3A_50 : vector<3x256xf32> to vector<3x256xbf16>
    %broadcast_in_dim3A_51 = arith.constant 2147483647 : i32
    %broadcast_in_dim3A_52 = vector.broadcast %broadcast_in_dim3A_51 : i32 to vector<256x1xi32>
    %scan3A = arith.constant 0 : i32
    %scan3A_53 = arith.constant 16 : i32
    %scan3A_54 = arith.addi %scan3A, %scan3A_53 : i32
    %scan3A_55 = arith.constant 1 : i32
    %scan3A_56 = scf.for %scan3A_70 = %scan3A to %scan3A_54 step %scan3A_55 iter_args(%scan3A_71 = %broadcast_in_dim3A_52) -> (vector<256x1xi32>)  : i32 {
      %mul3A_72 = arith.constant 512 : i32
      %mul3A_73 = arith.muli %scan3A_70, %mul3A_72 : i32
      %get3A_74 = arith.constant 0 : index
      %get3A_75 = arith.constant 0 : index
      %get3A_76 = arith.index_cast %mul3A_73 : i32 to index
      %get3A_77 = vector.load %arg6[%get3A_74, %get3A_75, %get3A_76] : memref<1x3x8192xf32, #tpu.memory_space<vmem>>, vector<1x3x512xf32>
      %get3A_78 = vector.shape_cast %get3A_77 : vector<1x3x512xf32> to vector<3x512xf32>
      %sub3A_79 = vector.broadcast %div3A_28 : vector<3x1xf32> to vector<3x512xf32>
      %sub3A_80 = arith.subf %get3A_78, %sub3A_79 : vector<3x512xf32>
      %div3A_81 = vector.broadcast %add3A_17 : vector<1x1xf32> to vector<3x512xf32>
      %div3A_82 = arith.divf %sub3A_80, %div3A_81 : vector<3x512xf32>
      %mul3A_83 = arith.mulf %div3A_82, %div3A_82 : vector<3x512xf32>
      %reduce_sum3A_84 = arith.constant dense<0.000000e+00> : vector<512xf32>
      %reduce_sum3A_85 = vector.multi_reduction <add>, %mul3A_83, %reduce_sum3A_84 [0] : vector<3x512xf32> to vector<512xf32>
      %broadcast_in_dim3A_86 = vector.shape_cast %reduce_sum3A_85 : vector<512xf32> to vector<1x512xf32>
      %convert_element_type3A_87 = arith.truncf %div3A_82 : vector<3x512xf32> to vector<3x512xbf16>
      %dot_general3A = arith.constant dense<0.000000e+00> : vector<256x512xf32>
      %dot_general3A_88 = tpu.matmul %convert_element_type3A, %convert_element_type3A_87, %dot_general3A {dimension_numbers = #tpu.dot_dimension_numbers<[0], [0], [1], [1], [0, 1, 1, 1], [], []>, transpose_lhs_hint = false} : vector<3x256xbf16>, vector<3x512xbf16>, vector<256x512xf32> -> vector<256x512xf32>
      %mul3A_89 = arith.constant 2.000000e+00 : f32
      %mul3A_90 = vector.broadcast %mul3A_89 : f32 to vector<256x512xf32>
      %mul3A_91 = arith.mulf %mul3A_90, %dot_general3A_88 : vector<256x512xf32>
      %sub3A_92 = vector.broadcast %broadcast_in_dim3A_41 : vector<256x1xf32> to vector<256x512xf32>
      %sub3A_93 = arith.subf %sub3A_92, %mul3A_91 : vector<256x512xf32>
      %add3A_94 = vector.broadcast %broadcast_in_dim3A_86 : vector<1x512xf32> to vector<256x512xf32>
      %add3A_95 = arith.addf %sub3A_93, %add3A_94 : vector<256x512xf32>
      %bitcast_convert_type3A = tpu.bitcast %add3A_95 : vector<256x512xf32> -> vector<256x512xi32>
      %shift_right_arithmetic3A = arith.constant 31 : i32
      %shift_right_arithmetic3A_96 = vector.broadcast %shift_right_arithmetic3A : i32 to vector<256x512xi32>
      %shift_right_arithmetic3A_97 = arith.shrsi %bitcast_convert_type3A, %shift_right_arithmetic3A_96 : vector<256x512xi32>
      %and3A_98 = arith.constant 2147483647 : i32
      %and3A_99 = vector.broadcast %and3A_98 : i32 to vector<256x512xi32>
      %and3A_100 = arith.andi %shift_right_arithmetic3A_97, %and3A_99 : vector<256x512xi32>
      %xor3A = arith.xori %bitcast_convert_type3A, %and3A_100 : vector<256x512xi32>
      %iota3A = tpu.iota {dimensions = array<i32: 1>} : vector<1x512xi32>
      %add3A_101 = vector.broadcast %mul3A_73 : i32 to vector<1x512xi32>
      %add3A_102 = arith.addi %iota3A, %add3A_101 : vector<1x512xi32>
      %and3A_103 = arith.constant -8192 : i32
      %and3A_104 = vector.broadcast %and3A_103 : i32 to vector<256x512xi32>
      %and3A_105 = arith.andi %xor3A, %and3A_104 : vector<256x512xi32>
      %or3A = vector.broadcast %add3A_102 : vector<1x512xi32> to vector<256x512xi32>
      %or3A_106 = arith.ori %and3A_105, %or3A : vector<256x512xi32>
      %reduce_min3A = arith.constant dense<2147483647> : vector<256xi32>
      %reduce_min3A_107 = vector.multi_reduction <minsi>, %or3A_106, %reduce_min3A [1] : vector<256x512xi32> to vector<256xi32>
      %broadcast_in_dim3A_108 = vector.shape_cast %reduce_min3A_107 : vector<256xi32> to vector<256x1xi32>
      %min3A = arith.minsi %scan3A_71, %broadcast_in_dim3A_108 : vector<256x1xi32>
      scf.yield %min3A : vector<256x1xi32>
    }
    %scan3A_57 = arith.constant 16 : i32
    %and3A = arith.constant 8191 : i32
    %and3A_58 = vector.broadcast %and3A : i32 to vector<256x1xi32>
    %and3A_59 = arith.andi %scan3A_56, %and3A_58 : vector<256x1xi32>
    %mul3A_60 = arith.constant 8192 : i32
    %mul3A_61 = arith.muli %arg0, %mul3A_60 : i32
    %add3A_62 = vector.broadcast %mul3A_61 : i32 to vector<256x1xi32>
    %add3A_63 = arith.addi %and3A_59, %add3A_62 : vector<256x1xi32>
    %swap3A = arith.constant 0 : index
    %swap3A_64 = arith.constant 0 : index
    %swap3A_65 = arith.constant 0 : index
    %swap3A_66 = arith.constant 0 : index
    %swap3A_67 = vector.load %arg7[%swap3A, %swap3A_64, %swap3A_65, %swap3A_66] : memref<1x1x256x1xi32, #tpu.memory_space<vmem>>, vector<1x1x256x1xi32>
    %swap3A_68 = vector.shape_cast %swap3A_67 : vector<1x1x256x1xi32> to vector<256x1xi32>
    %swap3A_69 = vector.shape_cast %add3A_63 : vector<256x1xi32> to vector<1x1x256x1xi32>
    tpu.vector_store %arg7[%swap3A, %swap3A_64, %swap3A_65, %swap3A_66], %swap3A_69 {strides = array<i32>} : memref<1x1x256x1xi32, #tpu.memory_space<vmem>>, vector<1x1x256x1xi32>,
    return
  }
  func.func @transform_0(%arg0: i32, %arg1: i32) -> (i32, i32, i32) {
    %c0_i32 = arith.constant 0 : i32
    %c0_i32_0 = arith.constant 0 : i32
    %c0_i32_1 = arith.constant 0 : i32
    return %arg0, %c0_i32, %c0_i32_0 : i32, i32, i32
  }
  func.func @transform_1(%arg0: i32, %arg1: i32) -> (i32, i32, i32) {
    %c0_i32 = arith.constant 0 : i32
    %c0_i32_0 = arith.constant 0 : i32
    %c0_i32_1 = arith.constant 0 : i32
    return %arg0, %c0_i32, %c0_i32_0 : i32, i32, i32
  }
  func.func @transform_2(%arg0: i32, %arg1: i32) -> (i32, i32, i32) {
    %c0_i32 = arith.constant 0 : i32
    %c0_i32_0 = arith.constant 0 : i32
    return %arg0, %arg1, %c0_i32 : i32, i32, i32
  }
  func.func @transform_3(%arg0: i32, %arg1: i32) -> (i32, i32, i32) {
    %c0_i32 = arith.constant 0 : i32
    %c0_i32_0 = arith.constant 0 : i32
    return %arg0, %c0_i32, %arg1 : i32, i32, i32
  }
  func.func @transform_4(%arg0: i32, %arg1: i32) -> (i32, i32, i32) {
    %c0_i32 = arith.constant 0 : i32
    %c0_i32_0 = arith.constant 0 : i32
    %c0_i32_1 = arith.constant 0 : i32
    return %arg0, %c0_i32, %c0_i32_0 : i32, i32, i32
  }
  func.func @transform_5(%arg0: i32, %arg1: i32) -> (i32, i32, i32, i32) {
    %c0_i32 = arith.constant 0 : i32
    %c0_i32_0 = arith.constant 0 : i32
    %c0_i32_1 = arith.constant 0 : i32
    return %arg0, %arg1, %c0_i32, %c0_i32_0 : i32, i32, i32, i32
  }
}

module attributes {stable_mosaic.version = 14 : i64} {
  func.func @_proj_body(%arg0: i32, %arg1: i32, %arg2: memref<1x768x512xf32, #tpu.memory_space<vmem>>, %arg3: memref<768x256xf32, #tpu.memory_space<vmem>>, %arg4: memref<1x256xf32, #tpu.memory_space<vmem>>, %arg5: memref<1x512x256xf32, #tpu.memory_space<vmem>>) attributes {dimension_semantics = [#tpu.dimension_semantics<arbitrary>, #tpu.dimension_semantics<arbitrary>], iteration_bounds = array<i64: 4, 16>, scalar_prefetch = 0 : i64, scratch_operands = 0 : i64, tpu.core_type = #tpu.core_type<tc>, window_params = [{transform_indices = @transform_0, window_bounds = array<i64: 1, 768, 512>}, {pipeline_mode = #tpu.pipeline_mode<synchronous>, transform_indices = @transform_1, window_bounds = array<i64: 768, 256>}, {pipeline_mode = #tpu.pipeline_mode<synchronous>, transform_indices = @transform_2, window_bounds = array<i64: 1, 256>}, {transform_indices = @transform_3, window_bounds = array<i64: 1, 512, 256>}]} {
    %get3A = arith.constant 0 : index
    %get3A_0 = arith.constant 0 : index
    %get3A_1 = arith.constant 0 : index
    %get3A_2 = vector.load %arg2[%get3A, %get3A_0, %get3A_1] : memref<1x768x512xf32, #tpu.memory_space<vmem>>, vector<1x768x512xf32>
    %get3A_3 = vector.shape_cast %get3A_2 : vector<1x768x512xf32> to vector<768x512xf32>
    %convert_element_type3A = arith.truncf %get3A_3 : vector<768x512xf32> to vector<768x512xbf16>
    %get3A_4 = arith.constant 0 : index
    %get3A_5 = arith.constant 0 : index
    %get3A_6 = vector.load %arg3[%get3A_4, %get3A_5] : memref<768x256xf32, #tpu.memory_space<vmem>>, vector<768x256xf32>
    %convert_element_type3A_7 = arith.truncf %get3A_6 : vector<768x256xf32> to vector<768x256xbf16>
    %dot_general3A = arith.constant dense<0.000000e+00> : vector<512x256xf32>
    %dot_general3A_8 = tpu.matmul %convert_element_type3A, %convert_element_type3A_7, %dot_general3A {dimension_numbers = #tpu.dot_dimension_numbers<[0], [0], [1], [1], [0, 1, 1, 1], [], []>, transpose_lhs_hint = false} : vector<768x512xbf16>, vector<768x256xbf16>, vector<512x256xf32> -> vector<512x256xf32>
    %get3A_9 = arith.constant 0 : index
    %get3A_10 = arith.constant 0 : index
    %get3A_11 = vector.load %arg4[%get3A_9, %get3A_10] : memref<1x256xf32, #tpu.memory_space<vmem>>, vector<1x256xf32>
    %add3A = vector.broadcast %get3A_11 : vector<1x256xf32> to vector<512x256xf32>
    %add3A_12 = arith.addf %dot_general3A_8, %add3A : vector<512x256xf32>
    %swap3A = arith.constant 0 : index
    %swap3A_13 = arith.constant 0 : index
    %swap3A_14 = arith.constant 0 : index
    %swap3A_15 = vector.load %arg5[%swap3A, %swap3A_13, %swap3A_14] : memref<1x512x256xf32, #tpu.memory_space<vmem>>, vector<1x512x256xf32>
    %swap3A_16 = vector.shape_cast %swap3A_15 : vector<1x512x256xf32> to vector<512x256xf32>
    %swap3A_17 = vector.shape_cast %add3A_12 : vector<512x256xf32> to vector<1x512x256xf32>
    tpu.vector_store %arg5[%swap3A, %swap3A_13, %swap3A_14], %swap3A_17 {strides = array<i32>} : memref<1x512x256xf32, #tpu.memory_space<vmem>>, vector<1x512x256xf32>,
    return
  }
  func.func @transform_0(%arg0: i32, %arg1: i32) -> (i32, i32, i32) {
    %c0_i32 = arith.constant 0 : i32
    %c0_i32_0 = arith.constant 0 : i32
    return %arg0, %c0_i32, %arg1 : i32, i32, i32
  }
  func.func @transform_1(%arg0: i32, %arg1: i32) -> (i32, i32) {
    %c0_i32 = arith.constant 0 : i32
    %c0_i32_0 = arith.constant 0 : i32
    %c0_i32_1 = arith.constant 0 : i32
    return %c0_i32, %c0_i32_0 : i32, i32
  }
  func.func @transform_2(%arg0: i32, %arg1: i32) -> (i32, i32) {
    %c0_i32 = arith.constant 0 : i32
    %c0_i32_0 = arith.constant 0 : i32
    %c0_i32_1 = arith.constant 0 : i32
    return %c0_i32, %c0_i32_0 : i32, i32
  }
  func.func @transform_3(%arg0: i32, %arg1: i32) -> (i32, i32, i32) {
    %c0_i32 = arith.constant 0 : i32
    %c0_i32_0 = arith.constant 0 : i32
    return %arg0, %arg1, %c0_i32 : i32, i32, i32
  }
}

module attributes {stable_mosaic.version = 14 : i64} {
  func.func @_adapter_body(%arg0: i32, %arg1: memref<1x1024x256xf32, #tpu.memory_space<vmem>>, %arg2: memref<1x256x1024xf32, #tpu.memory_space<vmem>>, %arg3: memref<256x256xf32, #tpu.memory_space<vmem>>, %arg4: memref<1x256xf32, #tpu.memory_space<vmem>>, %arg5: memref<256x256xf32, #tpu.memory_space<vmem>>, %arg6: memref<256x1xf32, #tpu.memory_space<vmem>>, %arg7: memref<1x256x1024xf32, #tpu.memory_space<vmem>>) attributes {dimension_semantics = [#tpu.dimension_semantics<arbitrary>], iteration_bounds = array<i64: 4>, scalar_prefetch = 0 : i64, scratch_operands = 0 : i64, tpu.core_type = #tpu.core_type<tc>, window_params = [{transform_indices = @transform_0, window_bounds = array<i64: 1, 1024, 256>}, {transform_indices = @transform_1, window_bounds = array<i64: 1, 256, 1024>}, {pipeline_mode = #tpu.pipeline_mode<synchronous>, transform_indices = @transform_2, window_bounds = array<i64: 256, 256>}, {pipeline_mode = #tpu.pipeline_mode<synchronous>, transform_indices = @transform_3, window_bounds = array<i64: 1, 256>}, {pipeline_mode = #tpu.pipeline_mode<synchronous>, transform_indices = @transform_4, window_bounds = array<i64: 256, 256>}, {pipeline_mode = #tpu.pipeline_mode<synchronous>, transform_indices = @transform_5, window_bounds = array<i64: 256, 1>}, {transform_indices = @transform_6, window_bounds = array<i64: 1, 256, 1024>}]} {
    %get3A = arith.constant 0 : index
    %get3A_0 = arith.constant 0 : index
    %get3A_1 = arith.constant 0 : index
    %get3A_2 = vector.load %arg1[%get3A, %get3A_0, %get3A_1] : memref<1x1024x256xf32, #tpu.memory_space<vmem>>, vector<1x1024x256xf32>
    %get3A_3 = vector.shape_cast %get3A_2 : vector<1x1024x256xf32> to vector<1024x256xf32>
    %reduce_sum3A = arith.constant dense<0.000000e+00> : vector<1024xf32>
    %reduce_sum3A_4 = vector.multi_reduction <add>, %get3A_3, %reduce_sum3A [1] : vector<1024x256xf32> to vector<1024xf32>
    %broadcast_in_dim3A = vector.shape_cast %reduce_sum3A_4 : vector<1024xf32> to vector<1024x1xf32>
    %div3A = arith.constant 2.560000e+02 : f32
    %div3A_5 = vector.broadcast %div3A : f32 to vector<1024x1xf32>
    %div3A_6 = arith.divf %broadcast_in_dim3A, %div3A_5 : vector<1024x1xf32>
    %sub3A = vector.broadcast %div3A_6 : vector<1024x1xf32> to vector<1024x256xf32>
    %sub3A_7 = arith.subf %get3A_3, %sub3A : vector<1024x256xf32>
    %mul3A = arith.mulf %sub3A_7, %sub3A_7 : vector<1024x256xf32>
    %reduce_sum3A_8 = arith.constant dense<0.000000e+00> : vector<1024xf32>
    %reduce_sum3A_9 = vector.multi_reduction <add>, %mul3A, %reduce_sum3A_8 [1] : vector<1024x256xf32> to vector<1024xf32>
    %broadcast_in_dim3A_10 = vector.shape_cast %reduce_sum3A_9 : vector<1024xf32> to vector<1024x1xf32>
    %div3A_11 = arith.constant 2.560000e+02 : f32
    %div3A_12 = vector.broadcast %div3A_11 : f32 to vector<1024x1xf32>
    %div3A_13 = arith.divf %broadcast_in_dim3A_10, %div3A_12 : vector<1024x1xf32>
    %add3A = arith.constant 9.99999974E-6 : f32
    %add3A_14 = vector.broadcast %add3A : f32 to vector<1024x1xf32>
    %add3A_15 = arith.addf %div3A_13, %add3A_14 : vector<1024x1xf32>
    %rsqrt3A = math.rsqrt %add3A_15 : vector<1024x1xf32>
    %mul3A_16 = vector.broadcast %rsqrt3A : vector<1024x1xf32> to vector<1024x256xf32>
    %mul3A_17 = arith.mulf %sub3A_7, %mul3A_16 : vector<1024x256xf32>
    %get3A_18 = arith.constant 0 : index
    %get3A_19 = arith.constant 0 : index
    %get3A_20 = vector.load %arg3[%get3A_18, %get3A_19] : memref<256x256xf32, #tpu.memory_space<vmem>>, vector<256x256xf32>
    %dot_general3A = arith.constant dense<0.000000e+00> : vector<1024x256xf32>
    %dot_general3A_21 = tpu.matmul %mul3A_17, %get3A_20, %dot_general3A {dimension_numbers = #tpu.dot_dimension_numbers<[1], [0], [0], [1], [0, 0, 1, 1], [], []>, transpose_lhs_hint = false} : vector<1024x256xf32>, vector<256x256xf32>, vector<1024x256xf32> -> vector<1024x256xf32>
    %get3A_22 = arith.constant 0 : index
    %get3A_23 = arith.constant 0 : index
    %get3A_24 = vector.load %arg4[%get3A_22, %get3A_23] : memref<1x256xf32, #tpu.memory_space<vmem>>, vector<1x256xf32>
    %add3A_25 = vector.broadcast %get3A_24 : vector<1x256xf32> to vector<1024x256xf32>
    %add3A_26 = arith.addf %dot_general3A_21, %add3A_25 : vector<1024x256xf32>
    %max3A = arith.constant 0.000000e+00 : f32
    %max3A_27 = vector.broadcast %max3A : f32 to vector<1024x256xf32>
    %max3A_28 = arith.maximumf %add3A_26, %max3A_27 : vector<1024x256xf32>
    %get3A_29 = arith.constant 0 : index
    %get3A_30 = arith.constant 0 : index
    %get3A_31 = vector.load %arg5[%get3A_29, %get3A_30] : memref<256x256xf32, #tpu.memory_space<vmem>>, vector<256x256xf32>
    %dot_general3A_32 = arith.constant dense<0.000000e+00> : vector<256x1024xf32>
    %dot_general3A_33 = tpu.matmul %get3A_31, %max3A_28, %dot_general3A_32 {dimension_numbers = #tpu.dot_dimension_numbers<[1], [1], [0], [0], [0, 0, 1, 0], [], []>, transpose_lhs_hint = false} : vector<256x256xf32>, vector<1024x256xf32>, vector<256x1024xf32> -> vector<256x1024xf32>
    %get3A_34 = arith.constant 0 : index
    %get3A_35 = arith.constant 0 : index
    %get3A_36 = arith.constant 0 : index
    %get3A_37 = vector.load %arg2[%get3A_34, %get3A_35, %get3A_36] : memref<1x256x1024xf32, #tpu.memory_space<vmem>>, vector<1x256x1024xf32>
    %get3A_38 = vector.shape_cast %get3A_37 : vector<1x256x1024xf32> to vector<256x1024xf32>
    %mul3A_39 = arith.constant 5.000000e-01 : f32
    %mul3A_40 = vector.broadcast %mul3A_39 : f32 to vector<256x1024xf32>
    %mul3A_41 = arith.mulf %mul3A_40, %get3A_38 : vector<256x1024xf32>
    %get3A_42 = arith.constant 0 : index
    %get3A_43 = arith.constant 0 : index
    %get3A_44 = vector.load %arg6[%get3A_42, %get3A_43] : memref<256x1xf32, #tpu.memory_space<vmem>>, vector<256x1xf32>
    %add3A_45 = vector.broadcast %get3A_44 : vector<256x1xf32> to vector<256x1024xf32>
    %add3A_46 = arith.addf %dot_general3A_33, %add3A_45 : vector<256x1024xf32>
    %mul3A_47 = arith.constant 5.000000e-01 : f32
    %mul3A_48 = vector.broadcast %mul3A_47 : f32 to vector<256x1024xf32>
    %mul3A_49 = arith.mulf %mul3A_48, %add3A_46 : vector<256x1024xf32>
    %add3A_50 = arith.addf %mul3A_41, %mul3A_49 : vector<256x1024xf32>
    %swap3A = arith.constant 0 : index
    %swap3A_51 = arith.constant 0 : index
    %swap3A_52 = arith.constant 0 : index
    %swap3A_53 = vector.load %arg7[%swap3A, %swap3A_51, %swap3A_52] : memref<1x256x1024xf32, #tpu.memory_space<vmem>>, vector<1x256x1024xf32>
    %swap3A_54 = vector.shape_cast %swap3A_53 : vector<1x256x1024xf32> to vector<256x1024xf32>
    %swap3A_55 = vector.shape_cast %add3A_50 : vector<256x1024xf32> to vector<1x256x1024xf32>
    tpu.vector_store %arg7[%swap3A, %swap3A_51, %swap3A_52], %swap3A_55 {strides = array<i32>} : memref<1x256x1024xf32, #tpu.memory_space<vmem>>, vector<1x256x1024xf32>,
    return
  }
  func.func @transform_0(%arg0: i32) -> (i32, i32, i32) {
    %c0_i32 = arith.constant 0 : i32
    %c0_i32_0 = arith.constant 0 : i32
    %c0_i32_1 = arith.constant 0 : i32
    return %arg0, %c0_i32, %c0_i32_0 : i32, i32, i32
  }
  func.func @transform_1(%arg0: i32) -> (i32, i32, i32) {
    %c0_i32 = arith.constant 0 : i32
    %c0_i32_0 = arith.constant 0 : i32
    %c0_i32_1 = arith.constant 0 : i32
    return %arg0, %c0_i32, %c0_i32_0 : i32, i32, i32
  }
  func.func @transform_2(%arg0: i32) -> (i32, i32) {
    %c0_i32 = arith.constant 0 : i32
    %c0_i32_0 = arith.constant 0 : i32
    %c0_i32_1 = arith.constant 0 : i32
    return %c0_i32, %c0_i32_0 : i32, i32
  }
  func.func @transform_3(%arg0: i32) -> (i32, i32) {
    %c0_i32 = arith.constant 0 : i32
    %c0_i32_0 = arith.constant 0 : i32
    %c0_i32_1 = arith.constant 0 : i32
    return %c0_i32, %c0_i32_0 : i32, i32
  }
  func.func @transform_4(%arg0: i32) -> (i32, i32) {
    %c0_i32 = arith.constant 0 : i32
    %c0_i32_0 = arith.constant 0 : i32
    %c0_i32_1 = arith.constant 0 : i32
    return %c0_i32, %c0_i32_0 : i32, i32
  }
  func.func @transform_5(%arg0: i32) -> (i32, i32) {
    %c0_i32 = arith.constant 0 : i32
    %c0_i32_0 = arith.constant 0 : i32
    %c0_i32_1 = arith.constant 0 : i32
    return %c0_i32, %c0_i32_0 : i32, i32
  }
  func.func @transform_6(%arg0: i32) -> (i32, i32, i32) {
    %c0_i32 = arith.constant 0 : i32
    %c0_i32_0 = arith.constant 0 : i32
    %c0_i32_1 = arith.constant 0 : i32
    return %arg0, %c0_i32, %c0_i32_0 : i32, i32, i32
  }
}

</mosaic_0001>

<sc_bundles>
// kernel: kernel.6.cloned.1.call-start
scs
__scs_entry_jumppad:
0x0: {  	(pc) =	sbr.rel $0x88, $3  }
0x1: {  	(tag) =	ssettag $0x0;
	lr =	simm.s32 $0x1  }
0x2: {  	[smem:$0x3F96] =	sst lr;
	_ =	strace $0xD0000000  }
0x3: {  	_ = 	snop  }
0x4: {  	_ = 	snop  }
0x5: {  	_ = 	snop  }
0x6: {  	_ = 	snop  }
0x7: {  	_ = 	snop  }
__scs_overlays_trampoline_lowered:
0x8: {  	[smem:$0x3FA5] =	sst s0  }
0x9: {  	[smem:$0x3FA6] =	sst s1  }
0xa: {  	[smem:$0x3FA7] =	sst s2  }
0xb: {  	[smem:$0x3FA8] =	sst s3  }
0xc: {  	[smem:$0x3FA9] =	sst s4  }
0xd: {  	[smem:$0x3FAA] =	sst s5  }
0xe: {  	[smem:$0x3FAB] =	sst s6  }
0xf: {  	[smem:$0x3FAC] =	sst s7  }
0x10: {  	[smem:$0x3FAD] =	sst s8  }
0x11: {  	[smem:$0x3FAE] =	sst s9;
	s0 =	simm.s32 @!p0 $0x0  }
0x12: {  	s1 =	sld [smem:$0x3F94];
	s0 =	simm.s32 @p0 $0x1  }
0x13: {  	[smem:$0x3FAF] =	sst s0;
	s0 =	simm.s32 @!p1 $0x0  }
0x14: {  	s2 =	sld [smem:$0x3F93];
	s0 =	simm.s32 @p1 $0x1  }
0x15: {  	[smem:$0x3FB0] =	sst s0;
	s0 =	simm.s32 @!p2 $0x0  }
0x16: {  	s3 =	sld [smem:$0x3FDB];
	s0 =	simm.s32 @p2 $0x1  }
0x17: {  	s4 =	simm.s32 $0x1BF5;
	[smem:$0x3FB2] =	sst s0  }
0x18: {  	s0 =	sld [smem:$0x3F95];
	_ =	swait.ge [sflag:s4], $0x0  }
0x19: {  	s7 =	sld [smem:$0x3F96]  }
0x1a: {  	s8 =	sadd.s32 $0xFFFFE003, lr  }
0x1b: {  	s9 =	sadd.s32 $0xFFFFFEF7, lr;
	s5 =	simm.s32 $0xFFFFFFFF;
	p2 =	slt.u32 s8, $0xFFFFF086  }
0x1c: {  	p1 =	slt.u32 s9, $0xF7A;
	s5 =	simm.s32 @!p2 $0x0  }
0x1d: {  	s5 =	simm.s32 @p1 $0x1;
	p0 =	seq.s32 s7, s2  }
0x1e: {  	s7 =	smul.u32 @!p0 $0xF7A, s2;
	p2 =	seq.s32 @!p0 s5, $0x0  }
0x1f: {  	s9 =	smul.u32 $0xF7A, s1;
	s8 =	simm.s32 @!p0 $0x1BF5;
	p2 =	por !p2, p0  }
0x20: {  	[sflag:s8] =	ssyncset.s32 @!p0 $0xFFFFF086;
	s6 =	sadd.s32 @!p0 s3, s7;
	s7 =	simm.s32 @!p0 $0x108  }
0x21: {  	s3 =	sadd.s32 s3, s9;
	s6 =	sadd.s32 @!p0 $0x88, s6;
	s7 =	simm.s32 @p2 $0x1082  }
0x22: {  	[simem:s7], [sflag:s8] =	dma.local @!p0 [hbm:s6], $0xF7A  }
0x23: {  	s9 =	sor.u32 $0xD0000000, s2;
	s6 =	simm.s32 $0x108;
	_ =	swait.ge @!p0 [sflag:s8], $0x0  }
0x24: {  	s3 =	sadd.s32 $0x88, s3;
	s6 =	simm.s32 @!p1 $0x1082;
	[sflag:s4] =	ssyncset.s32 $0xFFFFF086  }
0x25: {  	[simem:s6], [sflag:s4] =	dma.local [hbm:s3], $0xF7A  }
0x26: {  	[smem:$0x3F96] =	sst s1;
	(tag) =	ssettag s2;
	_ =	strace s9  }
0x27: {  	s1 =	sld [smem:$0x3FA6]  }
0x28: {  	s2 =	sld [smem:$0x3FA7]  }
0x29: {  	s4 =	sld [smem:$0x3FA9]  }
0x2a: {  	p0 =	seq.s32 s5, $0x0;
	s5 =	sld [smem:$0x3FAA]  }
0x2b: {  	s6 =	sld [smem:$0x3FAB]  }
0x2c: {  	s7 =	sld [smem:$0x3FAC]  }
0x2d: {  	s3 =	simm.s32 $0x108;
	s8 =	sld [smem:$0x3FAD]  }
0x2e: {  	s3 =	simm.s32 @!p0 $0x1082;
	s9 =	sld [smem:$0x3FAE]  }
0x2f: {  	lr =	sadd.s32 s0, s3;
	s0 =	sld [smem:$0x3FA5]  }
0x30: {  	s3 =	sld [smem:$0x3FA8]  }
0x31: {  	[smem:$0x3FB1] =	sst s10  }
0x32: {  	s10 =	sld [smem:$0x3FAF];
	_ =	sdelay $0x3  }
0x33: {  	p0 =	seq.s32 s10, $0x1;
	s10 =	sld [smem:$0x3FB1];
	_ =	sdelay $0x3  }
0x34: {  	[smem:$0x3FB1] =	sst s10  }
0x35: {  	s10 =	sld [smem:$0x3FB0];
	_ =	sdelay $0x3  }
0x36: {  	p1 =	seq.s32 s10, $0x1;
	s10 =	sld [smem:$0x3FB1];
	_ =	sdelay $0x3  }
0x37: {  	[smem:$0x3FB1] =	sst s10  }
0x38: {  	s10 =	sld [smem:$0x3FB2]  }
0x39: {  	_ = 	snop;
	(pc) =	sbr.ind lr, $3  }
0x3a: {  	_ = 	snop  }
0x3b: {  	_ = 	snop  }
0x3c: {  	p2 =	seq.s32 s10, $0x1;
	s10 =	sld [smem:$0x3FB1]  }
0x3d: {  	_ =	shalt  }
0x3e: {  	_ =	shalt  }
0x3f: {  	_ =	shalt  }
0x40: {  	_ =	shalt  }
0x41: {  	_ =	shalt  }
0x42: {  	_ =	shalt  }
0x43: {  	_ =	shalt  }
0x44: {  	_ =	shalt  }
0x45: {  	_ =	shalt  }
0x46: {  	_ =	shalt  }
0x47: {  	_ =	shalt  }
0x48: {  	_ =	shalt  }
0x49: {  	_ =	shalt  }
0x4a: {  	_ =	shalt  }
0x4b: {  	_ =	shalt  }
0x4c: {  	_ =	shalt  }
0x4d: {  	_ =	shalt  }
0x4e: {  	_ =	shalt  }
0x4f: {  	_ =	shalt  }
0x50: {  	_ =	shalt  }
0x51: {  	_ =	shalt  }
0x52: {  	_ =	shalt  }
0x53: {  	_ =	shalt  }
0x54: {  	_ =	shalt  }
0x55: {  	_ =	shalt  }
0x56: {  	_ =	shalt  }
0x57: {  	_ =	shalt  }
0x58: {  	_ =	shalt  }
0x59: {  	_ =	shalt  }
0x5a: {  	_ =	shalt  }
0x5b: {  	_ =	shalt  }
0x5c: {  	_ =	shalt  }
0x5d: {  	_ =	shalt  }
0x5e: {  	_ =	shalt  }
0x5f: {  	_ =	shalt  }
0x60: {  	_ =	shalt  }
0x61: {  	_ =	shalt  }
0x62: {  	_ =	shalt  }
0x63: {  	_ =	shalt  }
0x64: {  	_ =	shalt  }
0x65: {  	_ =	shalt  }
0x66: {  	_ =	shalt  }
0x67: {  	_ =	shalt  }
0x68: {  	_ =	shalt  }
0x69: {  	_ =	shalt  }
0x6a: {  	_ =	shalt  }
0x6b: {  	_ =	shalt  }
0x6c: {  	_ =	shalt  }
0x6d: {  	_ =	shalt  }
0x6e: {  	_ =	shalt  }
0x6f: {  	_ =	shalt  }
0x70: {  	_ =	shalt  }
0x71: {  	_ =	shalt  }
0x72: {  	_ =	shalt  }
0x73: {  	_ =	shalt  }
0x74: {  	_ =	shalt  }
0x75: {  	_ =	shalt  }
0x76: {  	_ =	shalt  }
0x77: {  	_ =	shalt  }
0x78: {  	_ =	shalt  }
0x79: {  	_ =	shalt  }
0x7a: {  	_ =	shalt  }
0x7b: {  	_ =	shalt  }
0x7c: {  	_ =	shalt  }
0x7d: {  	_ =	shalt  }
0x7e: {  	_ =	shalt  }
0x7f: {  	_ =	shalt  }
0x80: {  	_ =	shalt  }
0x81: {  	_ =	shalt  }
0x82: {  	_ =	shalt  }
0x83: {  	_ =	shalt  }
0x84: {  	_ =	shalt  }
0x85: {  	_ =	shalt  }
0x86: {  	_ =	shalt  }
0x87: {  	_ =	shalt  }
.Lfunc_end0:
.L_simem_size_0:
called_computation_lowered:
.L_overlay_start_0:
0x88: {  	s2 =	sld [smem:$0x3FD9]  }
0x89: {  	s3 =	sld [smem:$0x3FFE];
	_ =	sdelay $0x1  }
0x8a: {  	s1 =	srdreg.scid  }
0x8b: {  	s0 =	sand.u32 $0x1, s1  }
0x8c: {  	s17 =	sshll.u32 s0, $0xA;
	s2 =	sadd.s32 s3, s2  }
0x8d: {  	s2 =	sadd.s32 s2, s17  }
0x8e: {  	[smem:$0x3FBD] =	sst s2  }
0x8f: {  	_ = 	snop  }
0x90: {  	s2 =	sld [smem:$0x3FD0];
	(tm) =	ssettm $0x1  }
0x91: {  	s18 =	sld [smem:$0x3FFB];
	_ =	sdelay $0x3  }
0x92: {  	_ =	strace s18  }
0x93: {  	s3 =	sld [smem:$0x3FFC];
	_ =	sdelay $0x3  }
0x94: {  	_ =	strace s3  }
0x95: {  	s3 =	sld [smem:$0x3FFD];
	_ =	sdelay $0x3  }
0x96: {  	_ =	strace s3  }
0x97: {  	_ =	strace $0x8FFFFFFF  }
0x98: {  	s19 =	sld [smem:$0x3FDB];
	_ =	sdelay $0x1  }
0x99: {  	s4 =	simm.s32 $_scs_section_size  }
0x9a: {  	s5 =	simm.s32 $_size__tile_overlayer_lowered;
	s6 =	simm.s32 $_tile_overlayer_lowered  }
0x9b: {  	s22 =	simm.s32 $0x1BFF;
	s21 =	sshll.u32 s6, $0x1;
	s3 =	sadd.s32 s4, s19  }
0x9c: {  	s7 =	simm.s32 $0x0;
	s20 =	sshll.u32 s5, $0x1;
	s5 =	sadd.s32 s21, s3  }
0x9d: {  	[timem:s7], [sflag:s22] =	dma.local [hbm:s5], s20  }
0x9e: {  	_ =	swait.ge [sflag:s22], s20  }
0x9f: {  	s4 =	ssub.s32 $0x0, s20;
	[sflag:s22] =	ssyncset.done $0x0  }
0xa0: {  	[sflag:s22] =	ssyncadd.s32 s4;
	_ =	sdelay $0x1  }
0xa1: {  	s23 =	simm.s32 $0x1B8B  }
0xa2: {  	_ =	swait.ge [sflag:s23], $0x1  }
0xa3: {  	[sflag:s23] =	ssyncset.done $0x0  }
0xa4: {  	s25 =	simm.s32 $0x1B8E;
	s24 =	sld [smem:$0x3FFE];
	[sflag:s23] =	ssyncadd.s32 $0xFFFFFFFF  }
0xa5: {  	s26 =	simm.s32 $execute0_lowered;
	[smem:$0x3FD2] =	sst s25  }
0xa6: {  	s5 =	sshll.u32 s26, $0x1;
	_ =	strace $0x80000046;
	[dreg:$0x1] =	wrdreg $0xFFFFFFFF  }
0xa7: {  	s28 =	simm.s32 $_size_execute0_lowered;
	s3 =	sadd.s32 s3, s5;
	[dreg:$0x0] =	wrdreg $0x0  }
0xa8: {  	s5 =	sshll.u32 s28, $0x1;
	[dreg:$0x2] =	wrdreg s3  }
0xa9: {  	[dreg:$0x3] =	wrdreg s5  }
0xaa: {  	[dreg:$0x4] =	wrdreg $0xC0  }
0xab: {  	_ =	task [dreg:s7], $0x5FFFF  }
0xac: {  	[dreg:$0x1] =	wrdreg $0xFFFFFFFF  }
0xad: {  	[dreg:$0x0] =	wrdreg $0x60  }
0xae: {  	[dreg:$0x2] =	wrdreg s24  }
0xaf: {  	[dreg:$0x3] =	wrdreg s2  }
0xb0: {  	[dreg:$0x4] =	wrdreg $0x9  }
0xb1: {  	_ =	task.clear_ibuf [dreg:s7], $0x5FFFF;
	_ =	strace $0x90000046  }
0xb2: {  	s29 =	simm.s32 $0x9;
	_ =	strace $0x80000048  }
0xb3: {  	_ =	swait.ge [sflag:s29], $0x1  }
0xb4: {  	[sflag:s29] =	ssyncadd.s32 $0xFFFFFFFF  }
0xb5: {  	_ =	strace $0x90000048  }
0xb6: {  	_ =	sfence  }
0xb7: {  	s30 =	sld [smem:$0x0];
	_ =	sdelay $0x2  }
0xb8: {  	s31 =	sshll.u32 s1, $0xD;
	s1 =	sshrl.u32 s1, $0x2  }
0xb9: {  	s3 =	sand.u32 $0x4000, s31;
	s1 =	sadd.s32 s1, s30  }
0xba: {  	s0 =	sor.u32 s3, s0;
	s1 =	sshll.u32 s1, $0x11  }
0xbb: {  	s0 =	sor.u32 s1, s0  }
0xbc: {  	s0 =	sadd.s32 $0x8F2B, s0  }
0xbd: {  	[sflag:s0] =	ssyncadd.remote.s32 $0x1  }
0xbe: {  	_ =	sfence.sel $0xFFFF  }
0xbf: {  	[dreg:$0x0] =	wrdreg $0xFFFFFFFF;
	(pc) =	sbr.abs _section_cstart, $3  }
0xc0: {  	[dreg:$0x1] =	wrdreg $0xFFFFFFFF  }
0xc1: {  	_ =	task.clear_ibuf [dreg:s7], $0x2FFFF;
	_ =	strace $0x9FFFFFFF  }
0xc2: {  	(tm) =	ssettm $0x7FFFFFFF  }
0xc3: {  	_ =	shalt  }
tec
execute0_lowered:
.L_overlay_start_1:
0x0: {  	(tag) =	ssettag $0x1  }
0x1: {  	s4 =	rddreg [dreg:$0x0]  }
0x2: {  	s5 =	rddreg [dreg:$0x1]  }
0x3: {  	s0 =	rddreg [dreg:$0x2];
	s3 =	srdreg.scid  }
0x4: {  	s2 =	simm.s32 $0x0;
	s1 =	stileid.u32;
	s10 =	simm.s32 $0x1080  }
0x5: {  	s11 =	simm.s32 $0x1880;
	s12 =	simm.s32 $0x2080;
	s13 =	simm.s32 $0x2880  }
0x6: {  	s14 =	simm.s32 $0x3080;
	s15 =	simm.s32 $0x3880;
	s16 =	simm.s32 $0x4080  }
0x7: {  	s17 =	simm.s32 $0x4880;
	s18 =	simm.s32 $0x5080;
	s19 =	simm.s32 $0x5880  }
0x8: {  	s20 =	simm.s32 $0x6080;
	s21 =	simm.s32 $0x6880;
	s22 =	simm.s32 $0x7080  }
0x9: {  	s23 =	simm.s32 $0x7880;
	s24 =	simm.s32 $0x1;
	s3 =	sand.u32 $0x1, s3  }
0xa: {  	[smem:$0x7FF] =	sst s2;
	s6 =	sshll.u32 s1, $0x8;
	s7 =	sshll.u32 s3, $0x7  }
0xb: {  	_ =	strace $0x80000047;
	s31 =	ssub.s32 $0x2, s3;
	s6 =	sor.u32 s7, s6  }
0xc: {  	s3 =	sadd.s32 $0x1800, s4;
	s9 =	sshrl.u32 s31, $0x1;
	s8 =	sshrl.u32 s6, $0x3  }
0xd: {  	v2 =	vlaneseq.u32;
	s7 =	ssub.s32 s31, s9;
	s6 =	sshll.u32 s6, $0x5;
	s9 =	simm.s32 $0x880  }
0xe: {  	vm0 =	vmmov $0xffff;
	v1 =	vshrl.u32 v2, $0x3;
	s4 =	sadd.s32 s8, s4;
	s5 =	sadd.s32 s5, s6;
	s6 =	smax.u32 s7, $0x1  }
0xf: {  	v0 =	vand.u32 $0x7, v2;
	v2 =	vor.u32 $0x8, v2;
	v1 =	vmul.u32 $0x8, v1;
	s7 =	simm.s32 $0x2;
	s8 =	simm.s32 $0x80;
	s4 =	sadd.s32 $0x1600, s4  }
.LBB2_1:
0x10: {  	[tilespmem:s2], [sflag:$0x2] =	stream.linear.gather [hbm4b:s4+s2], $0x80, $0x38;
	[tilespmem:$0x8080] =	vst v63  }
0x11: {  	_ =	swait.ge [sflag:s7], $0x80  }
0x12: {  	[sflag:s7] =	ssyncset.done $0x0  }
0x13: {  	[sflag:s7] =	ssyncadd.s32 $0xFFFFFF80  }
0x14: {  	v3 =	vld [tilespmem:$0x0];
	_ =	sdelay $0x4  }
0x15: {  	v4 =	vshll.u32 v3, $0x1  }
0x16: {  	v3 =	vand.u32 $0x7, v3;
	v4 =	vand.u32 $0xFFFFFFF0, v4  }
0x17: {  	v3 =	vor.u32 v3, v4  }
0x18: {  	v4 =	vperm.xlane v3, v0;
	_ =	sdelay $0x1  }
0x19: {  	v3 =	vperm.xlane v3, v2;
	v4 =	vadd.s32 v1, v4;
	_ =	sdelay $0x1  }
0x1a: {  	v3 =	vadd.s32 v1, v3;
	_ =	sdelay $0x2  }
0x1b: {  	[tilespmem:s8], [sflag:$0x1] =	stream.indirect_vreg.gather [hbm4b:s3+s2], $0x80, v4, vm0, $0xb8;
	[tilespmem:$0x8080] =	vst v63  }
0x1c: {  	_ = 	snop  }
0x1d: {  	[tilespmem:s9], [sflag:$0x1] =	stream.indirect_vreg.gather [hbm4b:s3+s2], $0x80, v3, vm0, $0xb8;
	[tilespmem:$0x8080] =	vst v63  }
0x1e: {  	v3 =	vld [tilespmem:$0x10];
	_ =	sdelay $0x4  }
0x1f: {  	v57 =	vshll.u32 v3, $0x1  }
0x20: {  	v3 =	vand.u32 $0x7, v3;
	v4 =	vand.u32 $0xFFFFFFF0, v57  }
0x21: {  	v3 =	vor.u32 v3, v4  }
0x22: {  	v4 =	vperm.xlane v3, v0;
	_ =	sdelay $0x1  }
0x23: {  	v3 =	vperm.xlane v3, v2;
	v4 =	vadd.s32 v1, v4;
	_ =	sdelay $0x1  }
0x24: {  	v3 =	vadd.s32 v1, v3;
	_ =	sdelay $0x2  }
0x25: {  	[tilespmem:s10], [sflag:$0x1] =	stream.indirect_vreg.gather [hbm4b:s3+s2], $0x80, v4, vm0, $0xb8;
	[tilespmem:$0x8080] =	vst v63  }
0x26: {  	_ = 	snop  }
0x27: {  	[tilespmem:s11], [sflag:$0x1] =	stream.indirect_vreg.gather [hbm4b:s3+s2], $0x80, v3, vm0, $0xb8;
	[tilespmem:$0x8080] =	vst v63  }
0x28: {  	v3 =	vld [tilespmem:$0x20];
	_ =	sdelay $0x4  }
0x29: {  	v58 =	vshll.u32 v3, $0x1  }
0x2a: {  	v3 =	vand.u32 $0x7, v3;
	v4 =	vand.u32 $0xFFFFFFF0, v58  }
0x2b: {  	v3 =	vor.u32 v3, v4  }
0x2c: {  	v4 =	vperm.xlane v3, v0;
	_ =	sdelay $0x1  }
0x2d: {  	v3 =	vperm.xlane v3, v2;
	v4 =	vadd.s32 v1, v4;
	_ =	sdelay $0x1  }
0x2e: {  	v3 =	vadd.s32 v1, v3;
	_ =	sdelay $0x2  }
0x2f: {  	[tilespmem:s12], [sflag:$0x1] =	stream.indirect_vreg.gather [hbm4b:s3+s2], $0x80, v4, vm0, $0xb8;
	[tilespmem:$0x8080] =	vst v63  }
0x30: {  	_ = 	snop  }
0x31: {  	[tilespmem:s13], [sflag:$0x1] =	stream.indirect_vreg.gather [hbm4b:s3+s2], $0x80, v3, vm0, $0xb8;
	[tilespmem:$0x8080] =	vst v63  }
0x32: {  	v3 =	vld [tilespmem:$0x30];
	_ =	sdelay $0x4  }
0x33: {  	v59 =	vshll.u32 v3, $0x1  }
0x34: {  	v3 =	vand.u32 $0x7, v3;
	v4 =	vand.u32 $0xFFFFFFF0, v59  }
0x35: {  	v3 =	vor.u32 v3, v4  }
0x36: {  	v4 =	vperm.xlane v3, v0;
	_ =	sdelay $0x1  }
0x37: {  	v3 =	vperm.xlane v3, v2;
	v4 =	vadd.s32 v1, v4;
	_ =	sdelay $0x1  }
0x38: {  	v3 =	vadd.s32 v1, v3;
	_ =	sdelay $0x2  }
0x39: {  	[tilespmem:s14], [sflag:$0x1] =	stream.indirect_vreg.gather [hbm4b:s3+s2], $0x80, v4, vm0, $0xb8;
	[tilespmem:$0x8080] =	vst v63  }
0x3a: {  	_ = 	snop  }
0x3b: {  	[tilespmem:s15], [sflag:$0x1] =	stream.indirect_vreg.gather [hbm4b:s3+s2], $0x80, v3, vm0, $0xb8;
	[tilespmem:$0x8080] =	vst v63  }
0x3c: {  	v3 =	vld [tilespmem:$0x40];
	_ =	sdelay $0x4  }
0x3d: {  	v60 =	vshll.u32 v3, $0x1  }
0x3e: {  	v3 =	vand.u32 $0x7, v3;
	v4 =	vand.u32 $0xFFFFFFF0, v60  }
0x3f: {  	v3 =	vor.u32 v3, v4  }
0x40: {  	v4 =	vperm.xlane v3, v0;
	_ =	sdelay $0x1  }
0x41: {  	v3 =	vperm.xlane v3, v2;
	v4 =	vadd.s32 v1, v4;
	_ =	sdelay $0x1  }
0x42: {  	v3 =	vadd.s32 v1, v3;
	_ =	sdelay $0x2  }
0x43: {  	[tilespmem:s16], [sflag:$0x1] =	stream.indirect_vreg.gather [hbm4b:s3+s2], $0x80, v4, vm0, $0xb8;
	[tilespmem:$0x8080] =	vst v63  }
0x44: {  	_ = 	snop  }
0x45: {  	[tilespmem:s17], [sflag:$0x1] =	stream.indirect_vreg.gather [hbm4b:s3+s2], $0x80, v3, vm0, $0xb8;
	[tilespmem:$0x8080] =	vst v63  }
0x46: {  	v3 =	vld [tilespmem:$0x50];
	_ =	sdelay $0x4  }
0x47: {  	v61 =	vshll.u32 v3, $0x1  }
0x48: {  	v3 =	vand.u32 $0x7, v3;
	v4 =	vand.u32 $0xFFFFFFF0, v61  }
0x49: {  	v3 =	vor.u32 v3, v4  }
0x4a: {  	v4 =	vperm.xlane v3, v0;
	_ =	sdelay $0x1  }
0x4b: {  	v3 =	vperm.xlane v3, v2;
	v4 =	vadd.s32 v1, v4;
	_ =	sdelay $0x1  }
0x4c: {  	v3 =	vadd.s32 v1, v3;
	_ =	sdelay $0x2  }
0x4d: {  	[tilespmem:s18], [sflag:$0x1] =	stream.indirect_vreg.gather [hbm4b:s3+s2], $0x80, v4, vm0, $0xb8;
	[tilespmem:$0x8080] =	vst v63  }
0x4e: {  	_ = 	snop  }
0x4f: {  	[tilespmem:s19], [sflag:$0x1] =	stream.indirect_vreg.gather [hbm4b:s3+s2], $0x80, v3, vm0, $0xb8;
	[tilespmem:$0x8080] =	vst v63  }
0x50: {  	v3 =	vld [tilespmem:$0x60];
	_ =	sdelay $0x4  }
0x51: {  	v62 =	vshll.u32 v3, $0x1  }
0x52: {  	v3 =	vand.u32 $0x7, v3;
	v4 =	vand.u32 $0xFFFFFFF0, v62  }
0x53: {  	v3 =	vor.u32 v3, v4  }
0x54: {  	v4 =	vperm.xlane v3, v0;
	_ =	sdelay $0x1  }
0x55: {  	v3 =	vperm.xlane v3, v2;
	v4 =	vadd.s32 v1, v4;
	_ =	sdelay $0x1  }
0x56: {  	v3 =	vadd.s32 v1, v3;
	_ =	sdelay $0x2  }
0x57: {  	[tilespmem:s20], [sflag:$0x1] =	stream.indirect_vreg.gather [hbm4b:s3+s2], $0x80, v4, vm0, $0xb8;
	[tilespmem:$0x8080] =	vst v63  }
0x58: {  	_ = 	snop  }
0x59: {  	[tilespmem:s21], [sflag:$0x1] =	stream.indirect_vreg.gather [hbm4b:s3+s2], $0x80, v3, vm0, $0xb8;
	[tilespmem:$0x8080] =	vst v63  }
0x5a: {  	v3 =	vld [tilespmem:$0x70];
	_ =	sdelay $0x4  }
0x5b: {  	v63 =	vshll.u32 v3, $0x1  }
0x5c: {  	v3 =	vand.u32 $0x7, v3;
	v4 =	vand.u32 $0xFFFFFFF0, v63  }
0x5d: {  	v3 =	vor.u32 v3, v4  }
0x5e: {  	v4 =	vperm.xlane v3, v0;
	_ =	sdelay $0x1  }
0x5f: {  	v3 =	vperm.xlane v3, v2;
	v4 =	vadd.s32 v1, v4;
	_ =	sdelay $0x1  }
0x60: {  	v3 =	vadd.s32 v1, v3;
	_ =	sdelay $0x2  }
0x61: {  	[tilespmem:s22], [sflag:$0x1] =	stream.indirect_vreg.gather [hbm4b:s3+s2], $0x80, v4, vm0, $0xb8;
	[tilespmem:$0x8080] =	vst v63  }
0x62: {  	_ = 	snop  }
0x63: {  	[tilespmem:s23], [sflag:$0x1] =	stream.indirect_vreg.gather [hbm4b:s3+s2], $0x80, v3, vm0, $0xb8;
	[tilespmem:$0x8080] =	vst v63  }
0x64: {  	_ =	swait.ge [sflag:s24], $0x8000  }
0x65: {  	p0 =	sne.s32 s6, $0x1;
	[sflag:s24] =	ssyncset.done $0x0  }
.Ltmp0:
0x66: {  	[sflag:s24] =	ssyncadd.s32 $0xFFFF8000;
	(pc) =	sbr.rel @p0 .LBB2_1-.Ltmp0, $4  }
0x67: {  	[hbm4b:s5+s2] =	stream.linear.scatter [tilespmem:s8], [sflag:$0x2], $0x8000, $0x38;
	[tilespmem:$0x8080] =	vst v63  }
0x68: {  	_ =	swait.ge [sflag:s7], $0x8000  }
0x69: {  	[sflag:s7] =	ssyncset.done $0x0  }
0x6a: {  	s6 =	sadd.s32 $0xFFFFFFFF, s6;
	[sflag:s7] =	ssyncadd.s32 $0xFFFF8000  }
0x6b: {  	_ =	sfence.sel $0x180000  }
0x6c: {  	[bflag:$0x0] =	sbarrier.arrive $0xFFFF  }
0x6d: {  	p0 =	sne.s32 s1, $0x0;
	_ =	strace $0x90000047  }
0x6e: {  	s0 =	sadd.s32 @!p0 $0x100000, s0;
	[bflag:$0x2] =	sbarrier.arrive $0xFFFF  }
0x6f: {  	[sflag:s0] =	ssyncadd.tile.s32 @!p0 $0x1;
	_ =	shalt  }
.Lfunc_end2:
_tile_overlayer_lowered:
.L_overlay_start_2:
0x70: {  	(tag) =	ssettag $0x2  }
0x71: {  	s0 =	rddreg [dreg:$0x0];
	s2 =	stileid.u32  }
0x72: {  	s1 =	rddreg [dreg:$0x1];
	p0 =	sne.s32 s2, $0x0  }
0x73: {  	s3 =	rddreg [dreg:$0x2];
	[bflag:$0x3] =	sbarrier.arrive $0xFFFF;
	s2 =	simm.s32 @!p0 $0x1C02  }
0x74: {  	[timem:s3], [sflag:s2] =	dma.local @!p0 [hbm:s0], s1  }
0x75: {  	s0 =	simm.s32 @!p0 $0x2  }
0x76: {  	_ =	swait.ge @!p0 [sflag:s0], s1  }
0x77: {  	s1 =	ssub.s32 @!p0 $0x0, s1;
	[sflag:s0] =	ssyncset.done @!p0 $0x0  }
0x78: {  	[sflag:s0] =	ssyncadd.s32 @!p0 s1  }
0x79: {  	[bflag:$0x3] =	sbarrier.arrive $0xFFFF  }
0x7a: {  	_ =	shalt  }

</sc_bundles>
